<compile_context>
chip_gen: v7x
topology: tpu7x:2x2x1
jax: 0.10.2.dev20260603
libtpu: 0.0.44.dev20260713+nightly
codegen_flags: <defaults>
</compile_context>

<pallas_src>
import jax
import jax.numpy as jnp
from jax import lax
from jax.experimental import pallas as pl
from jax.experimental.pallas import tpu as pltpu
from jax.experimental.pallas import tpu_sc as plsc

T = 8192
DM = 1024
E = 64
NA = 32
TILE = 1024
NT = T // TILE
_BIG = 2**30

_CONTRACT_MINOR = (((1,), (1,)), ((), ()))

_GATHER_DN = lax.GatherDimensionNumbers(
    offset_dims=(), collapsed_slice_dims=(0,), start_index_map=(0,))


def _lane_gather(x, idx):
    return lax.gather(x, idx[:, None], _GATHER_DN, slice_sizes=(1,),
                      mode=lax.GatherScatterMode.PROMISE_IN_BOUNDS)


def _logits_body(obs_ref, wgt_ref, bg_ref, pv_ref, pi_ref):
    i = pl.program_id(0)
    logits_t = lax.dot_general(
        wgt_ref[...], obs_ref[...], _CONTRACT_MINOR,
        preferred_element_type=jnp.float32) + bg_ref[...].T
    m = jnp.max(logits_t)
    erow = lax.broadcasted_iota(jnp.int32, (E, TILE), 0)
    tcol = lax.broadcasted_iota(jnp.int32, (E, TILE), 1)
    flat = (i * TILE + tcol) * E + erow
    idx = jnp.min(jnp.where(logits_t == m, flat, _BIG))
    pv_ref[i] = m
    pi_ref[i] = idx


def _sc_finalize(pv_hbm, pi_hbm, eidx_hbm, pv_v, pi_v, e_v):
    c = lax.axis_index("c")
    s = lax.axis_index("s")

    @pl.when((c == 0) & (s == 0))
    def _():
        pltpu.sync_copy(pv_hbm, pv_v)
        pltpu.sync_copy(pi_hbm, pi_v)
        pv = pv_v[...]
        pi = pi_v[...]
        lane = lax.iota(jnp.int32, 16)
        for k in (8, 4, 2, 1):
            perm = lane ^ k
            pvr = _lane_gather(pv, perm)
            pir = _lane_gather(pi, perm)
            better = (pvr > pv) | ((pvr == pv) & (pir < pi))
            pv = jnp.where(better, pvr, pv)
            pi = jnp.where(better, pir, pi)
        e_v[...] = pi % E
        pltpu.sync_copy(e_v, eidx_hbm)


def _expert_body(eidx_ref, obs_ref, wet_ref, bet_ref, out_ref):
    e = eidx_ref[0]
    cols = lax.broadcasted_iota(jnp.int32, (NA, E), 1)
    b = jnp.sum(jnp.where(cols == e, bet_ref[...], 0.0),
                axis=1, keepdims=True)
    out_ref[...] = lax.dot_general(
        wet_ref[0], obs_ref[...], _CONTRACT_MINOR,
        preferred_element_type=jnp.float32) + b


def kernel(context, obs, Wg, bg, We, be):
    del context
    wgt = Wg.T
    wet = jnp.swapaxes(We, 1, 2)
    bet = be.T
    bg2 = bg.reshape(1, E)

    pv, pi = pl.pallas_call(
        _logits_body,
        grid=(NT,),
        in_specs=[
            pl.BlockSpec((TILE, DM), lambda i: (i, 0)),
            pl.BlockSpec((E, DM), lambda i: (0, 0)),
            pl.BlockSpec((1, E), lambda i: (0, 0)),
        ],
        out_specs=[
            pl.BlockSpec(memory_space=pltpu.SMEM),
            pl.BlockSpec(memory_space=pltpu.SMEM),
        ],
        out_shape=[
            jax.ShapeDtypeStruct((NT,), jnp.float32),
            jax.ShapeDtypeStruct((NT,), jnp.int32),
        ],
        compiler_params=pltpu.CompilerParams(
            dimension_semantics=("arbitrary",),
        ),
    )(obs, wgt, bg2)

    pv16 = jnp.full((16,), -jnp.inf, jnp.float32).at[:NT].set(pv)
    pi16 = jnp.full((16,), _BIG, jnp.int32).at[:NT].set(pi)

    mesh = plsc.VectorSubcoreMesh(core_axis_name="c", subcore_axis_name="s")
    eidx = pl.kernel(
        _sc_finalize,
        mesh=mesh,
        out_type=jax.ShapeDtypeStruct((16,), jnp.int32),
        scratch_types=[
            pltpu.VMEM((16,), jnp.float32),
            pltpu.VMEM((16,), jnp.int32),
            pltpu.VMEM((16,), jnp.int32),
        ],
    )(pv16, pi16)

    grid_spec = pltpu.PrefetchScalarGridSpec(
        num_scalar_prefetch=1,
        grid=(NT,),
        in_specs=[
            pl.BlockSpec((TILE, DM), lambda i, e: (i, 0)),
            pl.BlockSpec((1, NA, DM), lambda i, e: (e[0], 0, 0)),
            pl.BlockSpec((NA, E), lambda i, e: (0, 0)),
        ],
        out_specs=pl.BlockSpec((NA, TILE), lambda i, e: (0, i)),
    )
    out_t = pl.pallas_call(
        _expert_body,
        grid_spec=grid_spec,
        out_shape=jax.ShapeDtypeStruct((NA, T), jnp.float32),
        compiler_params=pltpu.CompilerParams(
            dimension_semantics=("arbitrary",),
        ),
    )(eidx, obs, wet, bet)
    return out_t.T

# --- scband reference (transcript-rebuilt; emitter-appended) ---
"""Pipeline reference for scband-weighted-moe-23106924053244 (READ-ONLY COPY).

The authoritative reference and input builder live on the scoring server;
editing this copy changes nothing except your own understanding.
"""

import jax, jax.numpy as jnp
import numpy as np

T = 8192      # tokens = batch 4 * seq_len 2048
CTX = 1024    # context_size
DM = 1024     # obs feature dim (== context_size, gating is applied to obs)
E = 64        # num_expert
NA = 32       # expert (DQN) action-value output dim


def setup_inputs(seed: int = 0) -> dict:
    key = jax.random.key(seed)
    ks = jax.random.split(key, 6)
    return {
        "context": jax.random.normal(ks[0], (T, CTX), dtype=jnp.float32),
        "obs": jax.random.normal(ks[1], (T, DM), dtype=jnp.float32),
        # gating_network = nn.Linear(context_size, num_expert)
        "Wg": jax.random.normal(ks[2], (DM, E), dtype=jnp.float32) * 0.02,
        "bg": jnp.zeros((E,), dtype=jnp.float32),
        # bank of E expert (DQN head) linear layers: obs -> action values
        "We": jax.random.normal(ks[3], (E, DM, NA), dtype=jnp.float32) * 0.02,
        "be": jnp.zeros((E, NA), dtype=jnp.float32),
    }


def reference(context, obs, Wg, bg, We, be):
    # gating_network(obs): [T, E]
    logits = obs @ Wg + bg
    # torch.argmax(...).item(): argmax over the flattened logits -> single scalar.
    # Map the flat index into expert range (flat % E recovers the expert column).
    flat_idx = jnp.argmax(logits)
    exp_idx = flat_idx % We.shape[0]
    # select the winning expert's weights (dynamic gather over expert bank)
    W = jnp.take(We, exp_idx, axis=0)   # [DM, NA]
    b = jnp.take(be, exp_idx, axis=0)   # [NA]
    # self.experts[exp_idx](obs): whole batch routed through the single winning expert
    return obs @ W + b                  # [T, NA]

if __name__ == "__main__":
    import jax
    _d = setup_inputs()
    print(jax.jit(kernel)(*tuple(_d.values())))

</pallas_src>

<mosaic_0001>
#map = affine_map<(d0, d1) -> (0)>
module attributes {stable_mosaic.version = 14 : i64} {
  func.func @_sc_finalize(%arg0: i32, %arg1: i32, %arg2: memref<16xf32, #tpu.memory_space<hbm>>, %arg3: memref<16xi32, #tpu.memory_space<hbm>>, %arg4: memref<16xi32, #tpu.memory_space<hbm>>, %arg5: memref<16xf32, #tpu.memory_space<vmem>>, %arg6: memref<16xi32, #tpu.memory_space<vmem>>, %arg7: memref<16xi32, #tpu.memory_space<vmem>>) attributes {dimension_semantics = [#tpu.dimension_semantics<core_parallel>, #tpu.dimension_semantics<subcore_parallel>], iteration_bounds = array<i64: 2, 16>, scalar_prefetch = 0 : i64, scratch_operands = 3 : i64, tpu.core_type = #tpu.core_type<sc_vector_subcore>, window_params = [{transform_indices = #map}, {transform_indices = #map}, {transform_indices = #map}]} {
    %eq3A = arith.constant 0 : i32
    %eq3A_0 = arith.cmpi eq, %arg0, %eq3A : i32
    %eq3A_1 = arith.constant 0 : i32
    %eq3A_2 = arith.cmpi eq, %arg1, %eq3A_1 : i32
    %and3A = arith.andi %eq3A_0, %eq3A_2 : i1
    %convert_element_type3A = arith.extui %and3A : i1 to i32
    %cond3A = arith.constant 0 : i32
    %cond3A_3 = arith.cmpi ne, %convert_element_type3A, %cond3A : i32
    scf.if %cond3A_3 {
      "tpu.region"() ({
        %run_scoped3A = tpu.sem_alloc : memref<!tpu.dma_semaphore, #tpu.memory_space<semaphore_mem>>
        tpu.enqueue_dma source(%arg2 : memref<16xf32, #tpu.memory_space<hbm>>) target(%arg5 : memref<16xf32, #tpu.memory_space<vmem>>) target_semaphore(%run_scoped3A : memref<!tpu.dma_semaphore, #tpu.memory_space<semaphore_mem>>)
        tpu.wait_dma2 semaphore(%run_scoped3A : memref<!tpu.dma_semaphore, #tpu.memory_space<semaphore_mem>>) src(%arg2 : memref<16xf32, #tpu.memory_space<hbm>>) dst(%arg5 : memref<16xf32, #tpu.memory_space<vmem>>)
        tpu.yield
      }) : () -> ()
      "tpu.region"() ({
        %run_scoped3A = tpu.sem_alloc : memref<!tpu.dma_semaphore, #tpu.memory_space<semaphore_mem>>
        tpu.enqueue_dma source(%arg3 : memref<16xi32, #tpu.memory_space<hbm>>) target(%arg6 : memref<16xi32, #tpu.memory_space<vmem>>) target_semaphore(%run_scoped3A : memref<!tpu.dma_semaphore, #tpu.memory_space<semaphore_mem>>)
        tpu.wait_dma2 semaphore(%run_scoped3A : memref<!tpu.dma_semaphore, #tpu.memory_space<semaphore_mem>>) src(%arg3 : memref<16xi32, #tpu.memory_space<hbm>>) dst(%arg6 : memref<16xi32, #tpu.memory_space<vmem>>)
        tpu.yield
      }) : () -> ()
      %get3A = arith.constant 0 : index
      %get3A_4 = tpu.vector_load %arg5[%get3A] {strides = array<i32>} : memref<16xf32, #tpu.memory_space<vmem>>, vector<16xf32>,
      %get3A_5 = vector.shape_cast %get3A_4 : vector<16xf32> to vector<16xf32>
      %get3A_6 = arith.constant 0 : index
      %get3A_7 = tpu.vector_load %arg6[%get3A_6] {strides = array<i32>} : memref<16xi32, #tpu.memory_space<vmem>>, vector<16xi32>,
      %get3A_8 = vector.shape_cast %get3A_7 : vector<16xi32> to vector<16xi32>
      %iota3A = tpu.iota {dimensions = array<i32: 0>} : vector<16xi32>
      %xor3A = arith.constant 8 : i32
      %xor3A_9 = vector.broadcast %xor3A : i32 to vector<16xi32>
      %xor3A_10 = arith.xori %iota3A, %xor3A_9 : vector<16xi32>
      %broadcast_in_dim3A = vector.shape_cast %xor3A_10 : vector<16xi32> to vector<16x1xi32>
      %gather3A = vector.shape_cast %broadcast_in_dim3A : vector<16x1xi32> to vector<16xi32>
      %gather3A_11 = tpu.dynamic_gather %get3A_5[%gather3A] in [0] : vector<16xf32>, vector<16xi32> -> vector<16xf32>
      %broadcast_in_dim3A_12 = vector.shape_cast %xor3A_10 : vector<16xi32> to vector<16x1xi32>
      %gather3A_13 = vector.shape_cast %broadcast_in_dim3A_12 : vector<16x1xi32> to vector<16xi32>
      %gather3A_14 = tpu.dynamic_gather %get3A_8[%gather3A_13] in [0] : vector<16xi32>, vector<16xi32> -> vector<16xi32>
      %gt3A = arith.cmpf ogt, %gather3A_11, %get3A_5 : vector<16xf32>
      %eq3A_15 = arith.cmpf oeq, %gather3A_11, %get3A_5 : vector<16xf32>
      %lt3A = arith.cmpi slt, %gather3A_14, %get3A_8 : vector<16xi32>
      %and3A_16 = arith.andi %eq3A_15, %lt3A : vector<16xi1>
      %or3A = arith.ori %gt3A, %and3A_16 : vector<16xi1>
      %select_n3A = arith.select %or3A, %gather3A_11, %get3A_5 : vector<16xi1>, vector<16xf32>
      %select_n3A_17 = arith.select %or3A, %gather3A_14, %get3A_8 : vector<16xi1>, vector<16xi32>
      %xor3A_18 = arith.constant 4 : i32
      %xor3A_19 = vector.broadcast %xor3A_18 : i32 to vector<16xi32>
      %xor3A_20 = arith.xori %iota3A, %xor3A_19 : vector<16xi32>
      %broadcast_in_dim3A_21 = vector.shape_cast %xor3A_20 : vector<16xi32> to vector<16x1xi32>
      %gather3A_22 = vector.shape_cast %broadcast_in_dim3A_21 : vector<16x1xi32> to vector<16xi32>
      %gather3A_23 = tpu.dynamic_gather %select_n3A[%gather3A_22] in [0] : vector<16xf32>, vector<16xi32> -> vector<16xf32>
      %broadcast_in_dim3A_24 = vector.shape_cast %xor3A_20 : vector<16xi32> to vector<16x1xi32>
      %gather3A_25 = vector.shape_cast %broadcast_in_dim3A_24 : vector<16x1xi32> to vector<16xi32>
      %gather3A_26 = tpu.dynamic_gather %select_n3A_17[%gather3A_25] in [0] : vector<16xi32>, vector<16xi32> -> vector<16xi32>
      %gt3A_27 = arith.cmpf ogt, %gather3A_23, %select_n3A : vector<16xf32>
      %eq3A_28 = arith.cmpf oeq, %gather3A_23, %select_n3A : vector<16xf32>
      %lt3A_29 = arith.cmpi slt, %gather3A_26, %select_n3A_17 : vector<16xi32>
      %and3A_30 = arith.andi %eq3A_28, %lt3A_29 : vector<16xi1>
      %or3A_31 = arith.ori %gt3A_27, %and3A_30 : vector<16xi1>
      %select_n3A_32 = arith.select %or3A_31, %gather3A_23, %select_n3A : vector<16xi1>, vector<16xf32>
      %select_n3A_33 = arith.select %or3A_31, %gather3A_26, %select_n3A_17 : vector<16xi1>, vector<16xi32>
      %xor3A_34 = arith.constant 2 : i32
      %xor3A_35 = vector.broadcast %xor3A_34 : i32 to vector<16xi32>
      %xor3A_36 = arith.xori %iota3A, %xor3A_35 : vector<16xi32>
      %broadcast_in_dim3A_37 = vector.shape_cast %xor3A_36 : vector<16xi32> to vector<16x1xi32>
      %gather3A_38 = vector.shape_cast %broadcast_in_dim3A_37 : vector<16x1xi32> to vector<16xi32>
      %gather3A_39 = tpu.dynamic_gather %select_n3A_32[%gather3A_38] in [0] : vector<16xf32>, vector<16xi32> -> vector<16xf32>
      %broadcast_in_dim3A_40 = vector.shape_cast %xor3A_36 : vector<16xi32> to vector<16x1xi32>
      %gather3A_41 = vector.shape_cast %broadcast_in_dim3A_40 : vector<16x1xi32> to vector<16xi32>
      %gather3A_42 = tpu.dynamic_gather %select_n3A_33[%gather3A_41] in [0] : vector<16xi32>, vector<16xi32> -> vector<16xi32>
      %gt3A_43 = arith.cmpf ogt, %gather3A_39, %select_n3A_32 : vector<16xf32>
      %eq3A_44 = arith.cmpf oeq, %gather3A_39, %select_n3A_32 : vector<16xf32>
      %lt3A_45 = arith.cmpi slt, %gather3A_42, %select_n3A_33 : vector<16xi32>
      %and3A_46 = arith.andi %eq3A_44, %lt3A_45 : vector<16xi1>
      %or3A_47 = arith.ori %gt3A_43, %and3A_46 : vector<16xi1>
      %select_n3A_48 = arith.select %or3A_47, %gather3A_39, %select_n3A_32 : vector<16xi1>, vector<16xf32>
      %select_n3A_49 = arith.select %or3A_47, %gather3A_42, %select_n3A_33 : vector<16xi1>, vector<16xi32>
      %xor3A_50 = arith.constant 1 : i32
      %xor3A_51 = vector.broadcast %xor3A_50 : i32 to vector<16xi32>
      %xor3A_52 = arith.xori %iota3A, %xor3A_51 : vector<16xi32>
      %broadcast_in_dim3A_53 = vector.shape_cast %xor3A_52 : vector<16xi32> to vector<16x1xi32>
      %gather3A_54 = vector.shape_cast %broadcast_in_dim3A_53 : vector<16x1xi32> to vector<16xi32>
      %gather3A_55 = tpu.dynamic_gather %select_n3A_48[%gather3A_54] in [0] : vector<16xf32>, vector<16xi32> -> vector<16xf32>
      %broadcast_in_dim3A_56 = vector.shape_cast %xor3A_52 : vector<16xi32> to vector<16x1xi32>
      %gather3A_57 = vector.shape_cast %broadcast_in_dim3A_56 : vector<16x1xi32> to vector<16xi32>
      %gather3A_58 = tpu.dynamic_gather %select_n3A_49[%gather3A_57] in [0] : vector<16xi32>, vector<16xi32> -> vector<16xi32>
      %gt3A_59 = arith.cmpf ogt, %gather3A_55, %select_n3A_48 : vector<16xf32>
      %eq3A_60 = arith.cmpf oeq, %gather3A_55, %select_n3A_48 : vector<16xf32>
      %lt3A_61 = arith.cmpi slt, %gather3A_58, %select_n3A_49 : vector<16xi32>
      %and3A_62 = arith.andi %eq3A_60, %lt3A_61 : vector<16xi1>
      %or3A_63 = arith.ori %gt3A_59, %and3A_62 : vector<16xi1>
      %select_n3A_64 = arith.select %or3A_63, %gather3A_55, %select_n3A_48 : vector<16xi1>, vector<16xf32>
      %select_n3A_65 = arith.select %or3A_63, %gather3A_58, %select_n3A_49 : vector<16xi1>, vector<16xi32>
      %jit3A = arith.constant 64 : i32
      %eq3A_66 = arith.constant 0 : i32
      %eq3A_67 = arith.cmpi eq, %jit3A, %eq3A_66 : i32
      %jit3A_68 = arith.constant 1 : i32
      %select_n3A_69 = arith.select %eq3A_67, %jit3A_68, %jit3A : i32
      %rem3A = vector.broadcast %select_n3A_69 : i32 to vector<16xi32>
      %rem3A_70 = arith.remsi %select_n3A_65, %rem3A : vector<16xi32>
      %ne3A = arith.constant 0 : i32
      %ne3A_71 = vector.broadcast %ne3A : i32 to vector<16xi32>
      %ne3A_72 = arith.cmpi ne, %rem3A_70, %ne3A_71 : vector<16xi32>
      %lt3A_73 = arith.constant 0 : i32
      %lt3A_74 = vector.broadcast %lt3A_73 : i32 to vector<16xi32>
      %lt3A_75 = arith.cmpi slt, %rem3A_70, %lt3A_74 : vector<16xi32>
      %lt3A_76 = arith.constant 0 : i32
      %lt3A_77 = arith.cmpi slt, %select_n3A_69, %lt3A_76 : i32
      %ne3A_78 = vector.broadcast %lt3A_77 : i1 to vector<16xi1>
      %ne3A_79 = vector.broadcast %ne3A_78 : vector<16xi1> to vector<16xi1>
      %ne3A_80 = arith.xori %lt3A_75, %ne3A_79 : vector<16xi1>
      %and3A_81 = arith.andi %ne3A_80, %ne3A_72 : vector<16xi1>
      %add3A = vector.broadcast %select_n3A_69 : i32 to vector<16xi32>
      %add3A_82 = arith.addi %rem3A_70, %add3A : vector<16xi32>
      %select_n3A_83 = arith.select %and3A_81, %add3A_82, %rem3A_70 : vector<16xi1>, vector<16xi32>
      %swap3A = arith.constant 0 : index
      %swap3A_84 = tpu.vector_load %arg7[%swap3A] {strides = array<i32>} : memref<16xi32, #tpu.memory_space<vmem>>, vector<16xi32>,
      %swap3A_85 = vector.shape_cast %swap3A_84 : vector<16xi32> to vector<16xi32>
      %swap3A_86 = vector.shape_cast %select_n3A_83 : vector<16xi32> to vector<16xi32>
      tpu.vector_store %arg7[%swap3A], %swap3A_86 {strides = array<i32>} : memref<16xi32, #tpu.memory_space<vmem>>, vector<16xi32>,
      "tpu.region"() ({
        %run_scoped3A = tpu.sem_alloc : memref<!tpu.dma_semaphore, #tpu.memory_space<semaphore_mem>>
        tpu.enqueue_dma source(%arg7 : memref<16xi32, #tpu.memory_space<vmem>>) target(%arg4 : memref<16xi32, #tpu.memory_space<hbm>>) target_semaphore(%run_scoped3A : memref<!tpu.dma_semaphore, #tpu.memory_space<semaphore_mem>>)
        tpu.wait_dma2 semaphore(%run_scoped3A : memref<!tpu.dma_semaphore, #tpu.memory_space<semaphore_mem>>) src(%arg7 : memref<16xi32, #tpu.memory_space<vmem>>) dst(%arg4 : memref<16xi32, #tpu.memory_space<hbm>>)
        tpu.yield
      }) : () -> ()
    } else {
    }
    return
  }
}

module attributes {stable_mosaic.version = 14 : i64} {
  func.func @_expert_body(%arg0: i32, %arg1: memref<16xi32, #tpu.memory_space<smem>>, %arg2: memref<1024x1024xf32, #tpu.memory_space<vmem>>, %arg3: memref<1x32x1024xf32, #tpu.memory_space<vmem>>, %arg4: memref<32x64xf32, #tpu.memory_space<vmem>>, %arg5: memref<32x1024xf32, #tpu.memory_space<vmem>>) attributes {dimension_semantics = [#tpu.dimension_semantics<arbitrary>], iteration_bounds = array<i64: 8>, scalar_prefetch = 1 : i64, scratch_operands = 0 : i64, tpu.core_type = #tpu.core_type<tc>, window_params = [{transform_indices = @transform_0, window_bounds = array<i64: 1024, 1024>}, {transform_indices = @transform_1, window_bounds = array<i64: 1, 32, 1024>}, {pipeline_mode = #tpu.pipeline_mode<synchronous>, transform_indices = @transform_2, window_bounds = array<i64: 32, 64>}, {transform_indices = @transform_3, window_bounds = array<i64: 32, 1024>}]} {
    %get3A = arith.constant 0 : index
    %get3A_0 = memref.load %arg1[%get3A] : memref<16xi32, #tpu.memory_space<smem>>
    %iota3A = tpu.iota {dimensions = array<i32: 1>} : vector<32x64xi32>
    %eq3A = vector.broadcast %get3A_0 : i32 to vector<32x64xi32>
    %eq3A_1 = arith.cmpi eq, %iota3A, %eq3A : vector<32x64xi32>
    %get3A_2 = arith.constant 0 : index
    %get3A_3 = arith.constant 0 : index
    %get3A_4 = vector.load %arg4[%get3A_2, %get3A_3] : memref<32x64xf32, #tpu.memory_space<vmem>>, vector<32x64xf32>
    %jit3A = arith.constant 0.000000e+00 : f32
    %broadcast_in_dim3A = vector.broadcast %jit3A : f32 to vector<32x64xf32>
    %select_n3A = arith.select %eq3A_1, %get3A_4, %broadcast_in_dim3A : vector<32x64xi1>, vector<32x64xf32>
    %reduce_sum3A = arith.constant dense<0.000000e+00> : vector<32xf32>
    %reduce_sum3A_5 = vector.multi_reduction <add>, %select_n3A, %reduce_sum3A [1] : vector<32x64xf32> to vector<32xf32>
    %broadcast_in_dim3A_6 = vector.shape_cast %reduce_sum3A_5 : vector<32xf32> to vector<32x1xf32>
    %get3A_7 = arith.constant 0 : index
    %get3A_8 = arith.constant 0 : index
    %get3A_9 = arith.constant 0 : index
    %get3A_10 = vector.load %arg3[%get3A_7, %get3A_8, %get3A_9] : memref<1x32x1024xf32, #tpu.memory_space<vmem>>, vector<1x32x1024xf32>
    %get3A_11 = vector.shape_cast %get3A_10 : vector<1x32x1024xf32> to vector<32x1024xf32>
    %get3A_12 = arith.constant 0 : index
    %get3A_13 = arith.constant 0 : index
    %get3A_14 = vector.load %arg2[%get3A_12, %get3A_13] : memref<1024x1024xf32, #tpu.memory_space<vmem>>, vector<1024x1024xf32>
    %dot_general3A = arith.constant dense<0.000000e+00> : vector<32x1024xf32>
    %dot_general3A_15 = tpu.matmul %get3A_11, %get3A_14, %dot_general3A {dimension_numbers = #tpu.dot_dimension_numbers<[1], [1], [0], [0], [0, 0, 1, 0], [], []>, transpose_lhs_hint = false} : vector<32x1024xf32>, vector<1024x1024xf32>, vector<32x1024xf32> -> vector<32x1024xf32>
    %add3A = vector.broadcast %broadcast_in_dim3A_6 : vector<32x1xf32> to vector<32x1024xf32>
    %add3A_16 = arith.addf %dot_general3A_15, %add3A : vector<32x1024xf32>
    %swap3A = arith.constant 0 : index
    %swap3A_17 = arith.constant 0 : index
    %swap3A_18 = vector.load %arg5[%swap3A, %swap3A_17] : memref<32x1024xf32, #tpu.memory_space<vmem>>, vector<32x1024xf32>
    tpu.vector_store %arg5[%swap3A, %swap3A_17], %add3A_16 {strides = array<i32>} : memref<32x1024xf32, #tpu.memory_space<vmem>>, vector<32x1024xf32>,
    return
  }
  func.func @transform_0(%arg0: i32, %arg1: memref<16xi32, #tpu.memory_space<smem>>) -> (i32, i32) {
    %c0_i32 = arith.constant 0 : i32
    %c0_i32_0 = arith.constant 0 : i32
    return %arg0, %c0_i32 : i32, i32
  }
  func.func @transform_1(%arg0: i32, %arg1: memref<16xi32, #tpu.memory_space<smem>>) -> (i32, i32, i32) {
    %get3A = arith.constant 0 : index
    %get3A_0 = memref.load %arg1[%get3A] : memref<16xi32, #tpu.memory_space<smem>>
    %c0_i32 = arith.constant 0 : i32
    %c0_i32_1 = arith.constant 0 : i32
    %c0_i32_2 = arith.constant 0 : i32
    return %get3A_0, %c0_i32, %c0_i32_1 : i32, i32, i32
  }
  func.func @transform_2(%arg0: i32, %arg1: memref<16xi32, #tpu.memory_space<smem>>) -> (i32, i32) {
    %c0_i32 = arith.constant 0 : i32
    %c0_i32_0 = arith.constant 0 : i32
    %c0_i32_1 = arith.constant 0 : i32
    return %c0_i32, %c0_i32_0 : i32, i32
  }
  func.func @transform_3(%arg0: i32, %arg1: memref<16xi32, #tpu.memory_space<smem>>) -> (i32, i32) {
    %c0_i32 = arith.constant 0 : i32
    %c0_i32_0 = arith.constant 0 : i32
    return %c0_i32, %arg0 : i32, i32
  }
}

module attributes {stable_mosaic.version = 14 : i64} {
  func.func @_logits_body(%arg0: i32, %arg1: memref<1024x1024xf32, #tpu.memory_space<vmem>>, %arg2: memref<64x1024xf32, #tpu.memory_space<vmem>>, %arg3: memref<1x64xf32, #tpu.memory_space<vmem>>, %arg4: memref<8xf32, #tpu.memory_space<smem>>, %arg5: memref<8xi32, #tpu.memory_space<smem>>) attributes {dimension_semantics = [#tpu.dimension_semantics<arbitrary>], iteration_bounds = array<i64: 8>, scalar_prefetch = 0 : i64, scratch_operands = 0 : i64, tpu.core_type = #tpu.core_type<tc>, window_params = [{transform_indices = @transform_0, window_bounds = array<i64: 1024, 1024>}, {pipeline_mode = #tpu.pipeline_mode<synchronous>, transform_indices = @transform_1, window_bounds = array<i64: 64, 1024>}, {pipeline_mode = #tpu.pipeline_mode<synchronous>, transform_indices = @transform_2, window_bounds = array<i64: 1, 64>}, {transform_indices = @transform_3, window_bounds = array<i64: 8>}, {transform_indices = @transform_4, window_bounds = array<i64: 8>}]} {
    %get3A = arith.constant 0 : index
    %get3A_0 = arith.constant 0 : index
    %get3A_1 = vector.load %arg2[%get3A, %get3A_0] : memref<64x1024xf32, #tpu.memory_space<vmem>>, vector<64x1024xf32>
    %get3A_2 = arith.constant 0 : index
    %get3A_3 = arith.constant 0 : index
    %get3A_4 = vector.load %arg1[%get3A_2, %get3A_3] : memref<1024x1024xf32, #tpu.memory_space<vmem>>, vector<1024x1024xf32>
    %dot_general3A = arith.constant dense<0.000000e+00> : vector<64x1024xf32>
    %dot_general3A_5 = tpu.matmul %get3A_1, %get3A_4, %dot_general3A {dimension_numbers = #tpu.dot_dimension_numbers<[1], [1], [0], [0], [0, 0, 1, 0], [], []>, transpose_lhs_hint = false} : vector<64x1024xf32>, vector<1024x1024xf32>, vector<64x1024xf32> -> vector<64x1024xf32>
    %get3A_6 = arith.constant 0 : index
    %get3A_7 = arith.constant 0 : index
    %get3A_8 = vector.load %arg3[%get3A_6, %get3A_7] : memref<1x64xf32, #tpu.memory_space<vmem>>, vector<1x64xf32>
    %transpose3A = tpu.transpose %get3A_8, [1, 0] : vector<1x64xf32> -> vector<64x1xf32>
    %add3A = vector.broadcast %transpose3A : vector<64x1xf32> to vector<64x1024xf32>
    %add3A_9 = arith.addf %dot_general3A_5, %add3A : vector<64x1024xf32>
    %reduce_max3A = vector.shape_cast %add3A_9 : vector<64x1024xf32> to vector<1x64x1024xf32>
    %reduce_max3A_10 = arith.constant dense<0xFF800000> : vector<1xf32>
    %reduce_max3A_11 = vector.multi_reduction <maximumf>, %reduce_max3A, %reduce_max3A_10 [1, 2] : vector<1x64x1024xf32> to vector<1xf32>
    %reduce_max3A_12 = vector.shape_cast %reduce_max3A_11 : vector<1xf32> to vector<1x1x1xf32>
    %reduce_max3A_13 = vector.extract %reduce_max3A_12[0, 0, 0] : f32 from vector<1x1x1xf32>
    %iota3A = tpu.iota {dimensions = array<i32: 0>} : vector<64x1024xi32>
    %iota3A_14 = tpu.iota {dimensions = array<i32: 1>} : vector<64x1024xi32>
    %mul3A = arith.constant 1024 : i32
    %mul3A_15 = arith.muli %arg0, %mul3A : i32
    %add3A_16 = vector.broadcast %mul3A_15 : i32 to vector<64x1024xi32>
    %add3A_17 = arith.addi %add3A_16, %iota3A_14 : vector<64x1024xi32>
    %mul3A_18 = arith.constant 64 : i32
    %mul3A_19 = vector.broadcast %mul3A_18 : i32 to vector<64x1024xi32>
    %mul3A_20 = arith.muli %add3A_17, %mul3A_19 : vector<64x1024xi32>
    %add3A_21 = arith.addi %mul3A_20, %iota3A : vector<64x1024xi32>
    %eq3A = vector.broadcast %reduce_max3A_13 : f32 to vector<64x1024xf32>
    %eq3A_22 = arith.cmpf oeq, %add3A_9, %eq3A : vector<64x1024xf32>
    %jit3A = arith.constant 1073741824 : i32
    %broadcast_in_dim3A = vector.broadcast %jit3A : i32 to vector<64x1024xi32>
    %select_n3A = arith.select %eq3A_22, %add3A_21, %broadcast_in_dim3A : vector<64x1024xi1>, vector<64x1024xi32>
    %reduce_min3A = vector.shape_cast %select_n3A : vector<64x1024xi32> to vector<1x64x1024xi32>
    %reduce_min3A_23 = arith.constant dense<2147483647> : vector<1xi32>
    %reduce_min3A_24 = vector.multi_reduction <minsi>, %reduce_min3A, %reduce_min3A_23 [1, 2] : vector<1x64x1024xi32> to vector<1xi32>
    %reduce_min3A_25 = vector.shape_cast %reduce_min3A_24 : vector<1xi32> to vector<1x1x1xi32>
    %reduce_min3A_26 = vector.extract %reduce_min3A_25[0, 0, 0] : i32 from vector<1x1x1xi32>
    %swap3A = arith.index_cast %arg0 : i32 to index
    %swap3A_27 = memref.load %arg4[%swap3A] : memref<8xf32, #tpu.memory_space<smem>>
    memref.store %reduce_max3A_13, %arg4[%swap3A] : memref<8xf32, #tpu.memory_space<smem>>
    %swap3A_28 = arith.index_cast %arg0 : i32 to index
    %swap3A_29 = memref.load %arg5[%swap3A_28] : memref<8xi32, #tpu.memory_space<smem>>
    memref.store %reduce_min3A_26, %arg5[%swap3A_28] : memref<8xi32, #tpu.memory_space<smem>>
    return
  }
  func.func @transform_0(%arg0: i32) -> (i32, i32) {
    %c0_i32 = arith.constant 0 : i32
    %c0_i32_0 = arith.constant 0 : i32
    return %arg0, %c0_i32 : i32, i32
  }
  func.func @transform_1(%arg0: i32) -> (i32, i32) {
    %c0_i32 = arith.constant 0 : i32
    %c0_i32_0 = arith.constant 0 : i32
    %c0_i32_1 = arith.constant 0 : i32
    return %c0_i32, %c0_i32_0 : i32, i32
  }
  func.func @transform_2(%arg0: i32) -> (i32, i32) {
    %c0_i32 = arith.constant 0 : i32
    %c0_i32_0 = arith.constant 0 : i32
    %c0_i32_1 = arith.constant 0 : i32
    return %c0_i32, %c0_i32_0 : i32, i32
  }
  func.func @transform_3(%arg0: i32) -> i32 {
    %c0_i32 = arith.constant 0 : i32
    %c0_i32_0 = arith.constant 0 : i32
    return %c0_i32 : i32
  }
  func.func @transform_4(%arg0: i32) -> i32 {
    %c0_i32 = arith.constant 0 : i32
    %c0_i32_0 = arith.constant 0 : i32
    return %c0_i32 : i32
  }
}

</mosaic_0001>

<sc_bundles>
// kernel: kernel.5.cloned.1.call-start
scs
__scs_entry_jumppad:
0x0: {  	(pc) =	sbr.rel $0x88, $3  }
0x1: {  	(tag) =	ssettag $0x0;
	lr =	simm.s32 $0x1  }
0x2: {  	[smem:$0x3F9C] =	sst lr;
	_ =	strace $0xD0000000  }
0x3: {  	_ = 	snop  }
0x4: {  	_ = 	snop  }
0x5: {  	_ = 	snop  }
0x6: {  	_ = 	snop  }
0x7: {  	_ = 	snop  }
__scs_overlays_trampoline_lowered:
0x8: {  	[smem:$0x3FAB] =	sst s0  }
0x9: {  	[smem:$0x3FAC] =	sst s1  }
0xa: {  	[smem:$0x3FAD] =	sst s2  }
0xb: {  	[smem:$0x3FAE] =	sst s3  }
0xc: {  	[smem:$0x3FAF] =	sst s4  }
0xd: {  	[smem:$0x3FB0] =	sst s5  }
0xe: {  	[smem:$0x3FB1] =	sst s6  }
0xf: {  	[smem:$0x3FB2] =	sst s7  }
0x10: {  	[smem:$0x3FB3] =	sst s8  }
0x11: {  	[smem:$0x3FB4] =	sst s9;
	s0 =	simm.s32 @!p0 $0x0  }
0x12: {  	s1 =	sld [smem:$0x3F9A];
	s0 =	simm.s32 @p0 $0x1  }
0x13: {  	[smem:$0x3FB5] =	sst s0;
	s0 =	simm.s32 @!p1 $0x0  }
0x14: {  	s2 =	sld [smem:$0x3F99];
	s0 =	simm.s32 @p1 $0x1  }
0x15: {  	[smem:$0x3FB6] =	sst s0;
	s0 =	simm.s32 @!p2 $0x0  }
0x16: {  	s3 =	sld [smem:$0x3FDB];
	s0 =	simm.s32 @p2 $0x1  }
0x17: {  	s4 =	simm.s32 $0x1BF5;
	[smem:$0x3FB8] =	sst s0  }
0x18: {  	s0 =	sld [smem:$0x3F9B];
	_ =	swait.ge [sflag:s4], $0x0  }
0x19: {  	s7 =	sld [smem:$0x3F9C]  }
0x1a: {  	s8 =	sadd.s32 $0xFFFFE003, lr  }
0x1b: {  	s9 =	sadd.s32 $0xFFFFFEF7, lr;
	s5 =	simm.s32 $0xFFFFFFFF;
	p2 =	slt.u32 s8, $0xFFFFF086  }
0x1c: {  	p1 =	slt.u32 s9, $0xF7A;
	s5 =	simm.s32 @!p2 $0x0  }
0x1d: {  	s5 =	simm.s32 @p1 $0x1;
	p0 =	seq.s32 s7, s2  }
0x1e: {  	s7 =	smul.u32 @!p0 $0xF7A, s2;
	p2 =	seq.s32 @!p0 s5, $0x0  }
0x1f: {  	s9 =	smul.u32 $0xF7A, s1;
	s8 =	simm.s32 @!p0 $0x1BF5;
	p2 =	por !p2, p0  }
0x20: {  	[sflag:s8] =	ssyncset.s32 @!p0 $0xFFFFF086;
	s6 =	sadd.s32 @!p0 s3, s7;
	s7 =	simm.s32 @!p0 $0x108  }
0x21: {  	s3 =	sadd.s32 s3, s9;
	s6 =	sadd.s32 @!p0 $0x88, s6;
	s7 =	simm.s32 @p2 $0x1082  }
0x22: {  	[simem:s7], [sflag:s8] =	dma.local @!p0 [hbm:s6], $0xF7A  }
0x23: {  	s9 =	sor.u32 $0xD0000000, s2;
	s6 =	simm.s32 $0x108;
	_ =	swait.ge @!p0 [sflag:s8], $0x0  }
0x24: {  	s3 =	sadd.s32 $0x88, s3;
	s6 =	simm.s32 @!p1 $0x1082;
	[sflag:s4] =	ssyncset.s32 $0xFFFFF086  }
0x25: {  	[simem:s6], [sflag:s4] =	dma.local [hbm:s3], $0xF7A  }
0x26: {  	[smem:$0x3F9C] =	sst s1;
	(tag) =	ssettag s2;
	_ =	strace s9  }
0x27: {  	s1 =	sld [smem:$0x3FAC]  }
0x28: {  	s2 =	sld [smem:$0x3FAD]  }
0x29: {  	s4 =	sld [smem:$0x3FAF]  }
0x2a: {  	p0 =	seq.s32 s5, $0x0;
	s5 =	sld [smem:$0x3FB0]  }
0x2b: {  	s6 =	sld [smem:$0x3FB1]  }
0x2c: {  	s7 =	sld [smem:$0x3FB2]  }
0x2d: {  	s3 =	simm.s32 $0x108;
	s8 =	sld [smem:$0x3FB3]  }
0x2e: {  	s3 =	simm.s32 @!p0 $0x1082;
	s9 =	sld [smem:$0x3FB4]  }
0x2f: {  	lr =	sadd.s32 s0, s3;
	s0 =	sld [smem:$0x3FAB]  }
0x30: {  	s3 =	sld [smem:$0x3FAE]  }
0x31: {  	[smem:$0x3FB7] =	sst s10  }
0x32: {  	s10 =	sld [smem:$0x3FB5];
	_ =	sdelay $0x3  }
0x33: {  	p0 =	seq.s32 s10, $0x1;
	s10 =	sld [smem:$0x3FB7];
	_ =	sdelay $0x3  }
0x34: {  	[smem:$0x3FB7] =	sst s10  }
0x35: {  	s10 =	sld [smem:$0x3FB6];
	_ =	sdelay $0x3  }
0x36: {  	p1 =	seq.s32 s10, $0x1;
	s10 =	sld [smem:$0x3FB7];
	_ =	sdelay $0x3  }
0x37: {  	[smem:$0x3FB7] =	sst s10  }
0x38: {  	s10 =	sld [smem:$0x3FB8]  }
0x39: {  	_ = 	snop;
	(pc) =	sbr.ind lr, $3  }
0x3a: {  	_ = 	snop  }
0x3b: {  	_ = 	snop  }
0x3c: {  	p2 =	seq.s32 s10, $0x1;
	s10 =	sld [smem:$0x3FB7]  }
0x3d: {  	_ =	shalt  }
0x3e: {  	_ =	shalt  }
0x3f: {  	_ =	shalt  }
0x40: {  	_ =	shalt  }
0x41: {  	_ =	shalt  }
0x42: {  	_ =	shalt  }
0x43: {  	_ =	shalt  }
0x44: {  	_ =	shalt  }
0x45: {  	_ =	shalt  }
0x46: {  	_ =	shalt  }
0x47: {  	_ =	shalt  }
0x48: {  	_ =	shalt  }
0x49: {  	_ =	shalt  }
0x4a: {  	_ =	shalt  }
0x4b: {  	_ =	shalt  }
0x4c: {  	_ =	shalt  }
0x4d: {  	_ =	shalt  }
0x4e: {  	_ =	shalt  }
0x4f: {  	_ =	shalt  }
0x50: {  	_ =	shalt  }
0x51: {  	_ =	shalt  }
0x52: {  	_ =	shalt  }
0x53: {  	_ =	shalt  }
0x54: {  	_ =	shalt  }
0x55: {  	_ =	shalt  }
0x56: {  	_ =	shalt  }
0x57: {  	_ =	shalt  }
0x58: {  	_ =	shalt  }
0x59: {  	_ =	shalt  }
0x5a: {  	_ =	shalt  }
0x5b: {  	_ =	shalt  }
0x5c: {  	_ =	shalt  }
0x5d: {  	_ =	shalt  }
0x5e: {  	_ =	shalt  }
0x5f: {  	_ =	shalt  }
0x60: {  	_ =	shalt  }
0x61: {  	_ =	shalt  }
0x62: {  	_ =	shalt  }
0x63: {  	_ =	shalt  }
0x64: {  	_ =	shalt  }
0x65: {  	_ =	shalt  }
0x66: {  	_ =	shalt  }
0x67: {  	_ =	shalt  }
0x68: {  	_ =	shalt  }
0x69: {  	_ =	shalt  }
0x6a: {  	_ =	shalt  }
0x6b: {  	_ =	shalt  }
0x6c: {  	_ =	shalt  }
0x6d: {  	_ =	shalt  }
0x6e: {  	_ =	shalt  }
0x6f: {  	_ =	shalt  }
0x70: {  	_ =	shalt  }
0x71: {  	_ =	shalt  }
0x72: {  	_ =	shalt  }
0x73: {  	_ =	shalt  }
0x74: {  	_ =	shalt  }
0x75: {  	_ =	shalt  }
0x76: {  	_ =	shalt  }
0x77: {  	_ =	shalt  }
0x78: {  	_ =	shalt  }
0x79: {  	_ =	shalt  }
0x7a: {  	_ =	shalt  }
0x7b: {  	_ =	shalt  }
0x7c: {  	_ =	shalt  }
0x7d: {  	_ =	shalt  }
0x7e: {  	_ =	shalt  }
0x7f: {  	_ =	shalt  }
0x80: {  	_ =	shalt  }
0x81: {  	_ =	shalt  }
0x82: {  	_ =	shalt  }
0x83: {  	_ =	shalt  }
0x84: {  	_ =	shalt  }
0x85: {  	_ =	shalt  }
0x86: {  	_ =	shalt  }
0x87: {  	_ =	shalt  }
.Lfunc_end0:
.L_simem_size_0:
called_computation_lowered:
.L_overlay_start_0:
0x88: {  	s2 =	sld [smem:$0x3FD9]  }
0x89: {  	s3 =	sld [smem:$0x3FFE];
	_ =	sdelay $0x1  }
0x8a: {  	s1 =	srdreg.scid  }
0x8b: {  	s0 =	sand.u32 $0x1, s1  }
0x8c: {  	s17 =	sshll.u32 s0, $0xA;
	s2 =	sadd.s32 s3, s2  }
0x8d: {  	s2 =	sadd.s32 s2, s17  }
0x8e: {  	[smem:$0x3FC3] =	sst s2  }
0x8f: {  	_ = 	snop  }
0x90: {  	s2 =	sld [smem:$0x3FD0];
	(tm) =	ssettm $0x1  }
0x91: {  	s18 =	sld [smem:$0x3FFB];
	_ =	sdelay $0x3  }
0x92: {  	_ =	strace s18  }
0x93: {  	s3 =	sld [smem:$0x3FFC];
	_ =	sdelay $0x3  }
0x94: {  	_ =	strace s3  }
0x95: {  	s3 =	sld [smem:$0x3FFD];
	_ =	sdelay $0x3  }
0x96: {  	_ =	strace s3  }
0x97: {  	_ =	strace $0x8FFFFFFF  }
0x98: {  	s19 =	sld [smem:$0x3FDB];
	_ =	sdelay $0x1  }
0x99: {  	s4 =	simm.s32 $_scs_section_size  }
0x9a: {  	s5 =	simm.s32 $_size__tile_overlayer_lowered;
	s6 =	simm.s32 $_tile_overlayer_lowered  }
0x9b: {  	s22 =	simm.s32 $0x1BFF;
	s21 =	sshll.u32 s6, $0x1;
	s3 =	sadd.s32 s4, s19  }
0x9c: {  	s7 =	simm.s32 $0x0;
	s20 =	sshll.u32 s5, $0x1;
	s5 =	sadd.s32 s21, s3  }
0x9d: {  	[timem:s7], [sflag:s22] =	dma.local [hbm:s5], s20  }
0x9e: {  	_ =	swait.ge [sflag:s22], s20  }
0x9f: {  	s4 =	ssub.s32 $0x0, s20;
	[sflag:s22] =	ssyncset.done $0x0  }
0xa0: {  	[sflag:s22] =	ssyncadd.s32 s4;
	_ =	sdelay $0x1  }
0xa1: {  	s23 =	simm.s32 $0x1B8B  }
0xa2: {  	_ =	swait.ge [sflag:s23], $0x1  }
0xa3: {  	[sflag:s23] =	ssyncset.done $0x0  }
0xa4: {  	s25 =	simm.s32 $0x1B8E;
	s24 =	sld [smem:$0x3FFE];
	[sflag:s23] =	ssyncadd.s32 $0xFFFFFFFF  }
0xa5: {  	s26 =	simm.s32 $execute0_lowered;
	[smem:$0x3FD2] =	sst s25  }
0xa6: {  	s5 =	sshll.u32 s26, $0x1;
	_ =	strace $0x80000046;
	[dreg:$0x1] =	wrdreg $0xFFFFFFFF  }
0xa7: {  	s28 =	simm.s32 $_size_execute0_lowered;
	s3 =	sadd.s32 s3, s5;
	[dreg:$0x0] =	wrdreg $0x0  }
0xa8: {  	s5 =	sshll.u32 s28, $0x1;
	[dreg:$0x2] =	wrdreg s3  }
0xa9: {  	[dreg:$0x3] =	wrdreg s5  }
0xaa: {  	[dreg:$0x4] =	wrdreg $0xC0  }
0xab: {  	_ =	task [dreg:s7], $0x5FFFF  }
0xac: {  	[dreg:$0x1] =	wrdreg $0xFFFFFFFF  }
0xad: {  	[dreg:$0x0] =	wrdreg $0x60  }
0xae: {  	[dreg:$0x2] =	wrdreg s2  }
0xaf: {  	[dreg:$0x3] =	wrdreg s24  }
0xb0: {  	[dreg:$0x4] =	wrdreg $0x9  }
0xb1: {  	_ =	task.clear_ibuf [dreg:s7], $0x5FFFF;
	_ =	strace $0x90000046  }
0xb2: {  	s29 =	simm.s32 $0x9;
	_ =	strace $0x80000048  }
0xb3: {  	_ =	swait.ge [sflag:s29], $0x1  }
0xb4: {  	[sflag:s29] =	ssyncadd.s32 $0xFFFFFFFF  }
0xb5: {  	_ =	strace $0x90000048  }
0xb6: {  	_ =	sfence  }
0xb7: {  	s30 =	sld [smem:$0x0];
	_ =	sdelay $0x2  }
0xb8: {  	s31 =	sshll.u32 s1, $0xD;
	s1 =	sshrl.u32 s1, $0x2  }
0xb9: {  	s3 =	sand.u32 $0x4000, s31;
	s1 =	sadd.s32 s1, s30  }
0xba: {  	s0 =	sor.u32 s3, s0;
	s1 =	sshll.u32 s1, $0x11  }
0xbb: {  	s0 =	sor.u32 s1, s0  }
0xbc: {  	s0 =	sadd.s32 $0x8F2B, s0  }
0xbd: {  	[sflag:s0] =	ssyncadd.remote.s32 $0x1  }
0xbe: {  	_ =	sfence.sel $0xFFFF  }
0xbf: {  	[dreg:$0x0] =	wrdreg $0xFFFFFFFF;
	(pc) =	sbr.abs _section_cstart, $3  }
0xc0: {  	[dreg:$0x1] =	wrdreg $0xFFFFFFFF  }
0xc1: {  	_ =	task.clear_ibuf [dreg:s7], $0x2FFFF;
	_ =	strace $0x9FFFFFFF  }
0xc2: {  	(tm) =	ssettm $0x7FFFFFFF  }
0xc3: {  	_ =	shalt  }
tec
execute0_lowered:
.L_overlay_start_1:
0x0: {  	(tag) =	ssettag $0x1  }
0x1: {  	s0 =	srdreg.scid  }
0x2: {  	s8 =	sand.u32 $0x1, s0;
	s0 =	stileid.u32  }
0x3: {  	s3 =	sor.u32 s0, s8  }
0x4: {  	p0 =	sne.s32 s3, $0x0  }
.Ltmp0:
0x5: {  	_ = 	snop;
	(pc) =	sbr.rel @p0 .LBB2_4-.Ltmp0, $4  }
0x6: {  	_ = 	snop  }
0x7: {  	s2 =	rddreg [dreg:$0x0]  }
0x8: {  	s7 =	rddreg [dreg:$0x1]  }
0x9: {  	s1 =	rddreg [dreg:$0x2];
	_ =	strace $0x80000047  }
0xa: {  	s4 =	simm.s32 $0x0;
	s3 =	simm.s32 $0x1  }
0xb: {  	[tilespmem:s4], [sflag:$0x1] =	stream.linear.gather [hbm4b:s2+s4], $0x80, $0x38;
	[tilespmem:$0x180] =	vst v63  }
0xc: {  	_ =	swait.ge [sflag:s3], $0x80  }
0xd: {  	[sflag:s3] =	ssyncset.done $0x0  }
0xe: {  	s5 =	sadd.s32 $0x1600, s7;
	s6 =	simm.s32 $0x80;
	[sflag:s3] =	ssyncadd.s32 $0xFFFFFF80  }
0xf: {  	[tilespmem:s6], [sflag:$0x1] =	stream.linear.gather [hbm4b:s5+s4], $0x80, $0x38;
	[tilespmem:$0x180] =	vst v63  }
0x10: {  	_ =	swait.ge [sflag:s3], $0x80  }
0x11: {  	v0 =	vimm.s32 $0xFEDCBA98;
	[sflag:s3] =	ssyncset.done $0x0  }
0x12: {  	v1 =	vimm.s32 $0x76543210;
	v0 =	vunpack.c.l.s4.s8 v0;
	[sflag:s3] =	ssyncadd.s32 $0xFFFFFF80  }
0x13: {  	v4 =	vimm.s32 $0xBA98FEDC;
	v5 =	vimm.s32 $0x32107654;
	v1 =	vunpack.c.l.s4.s8 v1;
	v2 =	vld [tilespmem:$0x0]  }
0x14: {  	v4 =	vunpack.c.l.s4.s8 v4;
	v5 =	vunpack.c.l.s4.s8 v5;
	v0 =	vunpack.c.0.s8.s32 v0;
	v3 =	vld [tilespmem:$0x80]  }
0x15: {  	v1 =	vunpack.c.0.s8.s32 v1  }
0x16: {  	v4 =	vunpack.c.0.s8.s32 v4;
	v5 =	vunpack.c.0.s8.s32 v5;
	v0 =	vand.u32 $0xF, v0  }
0x17: {  	v6 =	vimm.s32 $0x54761032;
	v0 =	vcombine.low v0, v1  }
0x18: {  	v4 =	vcombine.low v5, v4;
	v5 =	vunpack.c.l.s4.s8 v6  }
0x19: {  	v1 =	vimm.s32 $0xDCFE98BA;
	v7 =	vperm.xlane v2, v0;
	v8 =	vperm.xlane v3, v0  }
0x1a: {  	v1 =	vunpack.c.l.s4.s8 v1  }
0x1b: {  	v5 =	vunpack.c.0.s8.s32 v5;
	vm0 =	veq.f32 v7, v2;
	vm1 =	vlt.s32 v8, v3  }
0x1c: {  	v56 =	vunpack.c.0.s8.s32 v1;
	vm2 =	vgt.f32 v7, v2;
	vm0 =	vmand vm0, vm1  }
0x1d: {  	v1 =	vand.u32 $0xF, v4;
	vm0 =	vmor vm2, vm0  }
0x1e: {  	v4 =	vcombine.low v5, v56;
	v5 =	vsel vm0, v7, v2;
	v3 =	vsel vm0, v8, v3  }
0x1f: {  	v57 =	vperm.xlane v5, v1;
	v58 =	vperm.xlane v3, v1;
	_ =	sdelay $0x1  }
0x20: {  	v59 =	vimm.s32 $0x67452301;
	vm7 =	veq.f32 v57, v5;
	vm8 =	vlt.s32 v58, v3  }
0x21: {  	v2 =	vand.u32 $0xF, v4;
	vm9 =	vgt.f32 v57, v5;
	vm0 =	vmand vm7, vm8  }
0x22: {  	v4 =	vimm.s32 $0xEFCDAB89;
	v8 =	vunpack.c.l.s4.s8 v59;
	vm0 =	vmor vm9, vm0  }
0x23: {  	v4 =	vunpack.c.l.s4.s8 v4;
	v5 =	vsel vm0, v57, v5;
	v60 =	vsel vm0, v58, v3  }
0x24: {  	v61 =	vperm.xlane v5, v2;
	v9 =	vperm.xlane v60, v2  }
0x25: {  	v3 =	vunpack.c.0.s8.s32 v4;
	v4 =	vunpack.c.0.s8.s32 v8  }
0x26: {  	vm10 =	veq.f32 v61, v5;
	vm11 =	vlt.s32 v9, v60  }
0x27: {  	v3 =	vcombine.low v4, v3;
	vm12 =	vgt.f32 v61, v5;
	vm0 =	vmand vm10, vm11  }
0x28: {  	vm0 =	vmor vm12, vm0  }
0x29: {  	v3 =	vand.u32 $0xF, v3;
	v4 =	vsel vm0, v61, v5;
	v5 =	vsel vm0, v9, v60  }
0x2a: {  	v62 =	vperm.xlane v4, v3;
	v63 =	vperm.xlane v5, v3  }
0x2b: {  	s8 =	ssub.s32 $0x2, s8  }
0x2c: {  	s9 =	sshrl.u32 s8, $0x1;
	vm13 =	veq.f32 v62, v4;
	vm14 =	vlt.s32 v63, v5  }
0x2d: {  	s9 =	ssub.s32 s8, s9;
	vm15 =	vgt.f32 v62, v4;
	vm0 =	vmand vm13, vm14  }
0x2e: {  	p0 =	sne.s32 s9, $0x1;
	vm0 =	vmor vm15, vm0  }
.Ltmp1:
0x2f: {  	v4 =	vsel vm0, v63, v5;
	(pc) =	sbr.rel @!p0 .LBB2_3-.Ltmp1, $4  }
0x30: {  	v4 =	vand.u32 $0x3F, v4  }
0x31: {  	s7 =	sadd.s32 $0x1800, s7;
	s8 =	simm.s32 $0x100;
	[tilespmem:$0x100] =	vst v4  }
0x32: {  	[hbm4b:s7+s4] =	stream.linear.scatter [tilespmem:s8], [sflag:$0x1], $0x80, $0x38;
	[tilespmem:$0x180] =	vst v63  }
0x33: {  	s9 =	sadd.s32 $0xFFFFFFFF, s9;
	_ =	swait.ge [sflag:s3], $0x80  }
.LBB2_2:
0x34: {  	p0 =	sne.s32 s9, $0x1;
	s9 =	sadd.s32 $0xFFFFFFFF, s9;
	[sflag:s3] =	ssyncset.done $0x0  }
0x35: {  	[sflag:s3] =	ssyncadd.s32 $0xFFFFFF80  }
0x36: {  	[tilespmem:s4], [sflag:$0x1] =	stream.linear.gather [hbm4b:s2+s4], $0x80, $0x38;
	[tilespmem:$0x180] =	vst v63  }
0x37: {  	_ =	swait.ge [sflag:s3], $0x80  }
0x38: {  	[sflag:s3] =	ssyncset.done $0x0  }
0x39: {  	[sflag:s3] =	ssyncadd.s32 $0xFFFFFF80  }
0x3a: {  	[tilespmem:s6], [sflag:$0x1] =	stream.linear.gather [hbm4b:s5+s4], $0x80, $0x38;
	[tilespmem:$0x180] =	vst v63  }
0x3b: {  	_ =	swait.ge [sflag:s3], $0x80  }
0x3c: {  	[sflag:s3] =	ssyncset.done $0x0  }
0x3d: {  	[sflag:s3] =	ssyncadd.s32 $0xFFFFFF80  }
0x3e: {  	v4 =	vld [tilespmem:$0x0]  }
0x3f: {  	v5 =	vld [tilespmem:$0x80];
	_ =	sdelay $0x3  }
0x40: {  	v6 =	vperm.xlane v4, v0  }
0x41: {  	v7 =	vperm.xlane v5, v0  }
0x42: {  	vm0 =	vgt.f32 v6, v4;
	vm1 =	veq.f32 v6, v4  }
0x43: {  	vm2 =	vlt.s32 v7, v5  }
0x44: {  	vm1 =	vmand vm1, vm2  }
0x45: {  	vm0 =	vmor vm0, vm1  }
0x46: {  	v4 =	vsel vm0, v6, v4;
	v5 =	vsel vm0, v7, v5  }
0x47: {  	v6 =	vperm.xlane v4, v1;
	v7 =	vperm.xlane v5, v1;
	_ =	sdelay $0x1  }
0x48: {  	vm0 =	vgt.f32 v6, v4;
	vm1 =	veq.f32 v6, v4;
	vm2 =	vlt.s32 v7, v5  }
0x49: {  	vm1 =	vmand vm1, vm2  }
0x4a: {  	vm0 =	vmor vm0, vm1  }
0x4b: {  	v4 =	vsel vm0, v6, v4;
	v5 =	vsel vm0, v7, v5  }
0x4c: {  	v6 =	vperm.xlane v4, v2;
	v7 =	vperm.xlane v5, v2;
	_ =	sdelay $0x1  }
0x4d: {  	vm0 =	vgt.f32 v6, v4;
	vm1 =	veq.f32 v6, v4;
	vm2 =	vlt.s32 v7, v5  }
0x4e: {  	vm1 =	vmand vm1, vm2  }
0x4f: {  	vm0 =	vmor vm0, vm1  }
0x50: {  	v4 =	vsel vm0, v6, v4;
	v5 =	vsel vm0, v7, v5  }
0x51: {  	v6 =	vperm.xlane v4, v3;
	v7 =	vperm.xlane v5, v3;
	_ =	sdelay $0x1  }
0x52: {  	vm0 =	vgt.f32 v6, v4;
	vm1 =	veq.f32 v6, v4;
	vm2 =	vlt.s32 v7, v5  }
0x53: {  	vm1 =	vmand vm1, vm2  }
0x54: {  	vm0 =	vmor vm0, vm1  }
.Ltmp2:
0x55: {  	v4 =	vsel vm0, v7, v5;
	(pc) =	sbr.rel @p0 .LBB2_2-.Ltmp2, $4  }
0x56: {  	v4 =	vand.u32 $0x3F, v4  }
0x57: {  	[tilespmem:$0x100] =	vst v4  }
0x58: {  	[hbm4b:s7+s4] =	stream.linear.scatter [tilespmem:s8], [sflag:$0x1], $0x80, $0x38;
	[tilespmem:$0x180] =	vst v63  }
0x59: {  	_ =	swait.ge [sflag:s3], $0x80  }
.LBB2_3:
0x5a: {  	[sflag:s3] =	ssyncset.done $0x0  }
0x5b: {  	[sflag:s3] =	ssyncadd.s32 $0xFFFFFF80  }
.LBB2_4:
0x5c: {  	_ =	sfence.sel $0x180000  }
0x5d: {  	[bflag:$0x0] =	sbarrier.arrive $0xFFFF  }
0x5e: {  	p0 =	sne.s32 s0, $0x0;
	_ =	strace $0x90000047  }
0x5f: {  	s0 =	sadd.s32 @!p0 $0x100000, s1;
	[bflag:$0x2] =	sbarrier.arrive $0xFFFF  }
0x60: {  	[sflag:s0] =	ssyncadd.tile.s32 @!p0 $0x1;
	_ =	shalt  }
.Lfunc_end2:
_tile_overlayer_lowered:
.L_overlay_start_2:
0x61: {  	(tag) =	ssettag $0x2  }
0x62: {  	s0 =	rddreg [dreg:$0x0];
	s2 =	stileid.u32  }
0x63: {  	s1 =	rddreg [dreg:$0x1];
	p0 =	sne.s32 s2, $0x0  }
0x64: {  	s3 =	rddreg [dreg:$0x2];
	[bflag:$0x3] =	sbarrier.arrive $0xFFFF;
	s2 =	simm.s32 @!p0 $0x1C01  }
0x65: {  	[timem:s3], [sflag:s2] =	dma.local @!p0 [hbm:s0], s1  }
0x66: {  	s0 =	simm.s32 @!p0 $0x1  }
0x67: {  	_ =	swait.ge @!p0 [sflag:s0], s1  }
0x68: {  	s1 =	ssub.s32 @!p0 $0x0, s1;
	[sflag:s0] =	ssyncset.done @!p0 $0x0  }
0x69: {  	[sflag:s0] =	ssyncadd.s32 @!p0 s1  }
0x6a: {  	[bflag:$0x3] =	sbarrier.arrive $0xFFFF  }
0x6b: {  	_ =	shalt  }

</sc_bundles>
